<compile_context>
chip_gen: v7x
topology: tpu7x:2x2x1
jax: 0.10.2.dev20260603
libtpu: 0.0.44.dev20260713+nightly
codegen_flags: <defaults>
</compile_context>

<pallas_src>
import functools

import jax
import jax.numpy as jnp
from jax import lax
from jax.experimental import pallas as pl
from jax.experimental.pallas import tpu as pltpu
from jax.experimental.pallas import tpu_sc as plsc

_N = 65536
_C = 1000
_NW = 32
_ROWS_PER_W = _N // _NW
_RING = 4
_CH = 16
_NCHUNK = _ROWS_PER_W // _CH

_mesh = plsc.VectorSubcoreMesh(core_axis_name="c", subcore_axis_name="s")


@functools.partial(
    pl.kernel,
    out_type=jax.ShapeDtypeStruct((_NW, 16), jnp.float32),
    mesh=_mesh,
    scratch_types=[
        pltpu.VMEM((_RING, _CH, _C), jnp.float32),
        pltpu.VMEM((16,), jnp.float32),
        pltpu.SemaphoreType.DMA((_RING,)),
    ],
)
def _sc_probe(x_hbm, out_hbm, buf, outv, sems):
    wid = lax.axis_index("s") * 2 + lax.axis_index("c")
    base = wid * _ROWS_PER_W

    def start(g, slot):
        pltpu.make_async_copy(
            x_hbm.at[pl.ds(base + g * _CH, _CH), :], buf.at[slot], sems.at[slot]
        ).start()

    for r in range(_RING):
        start(r, r)

    def body(g, carry):
        slot = lax.rem(g, _RING)
        pltpu.make_async_copy(
            x_hbm.at[pl.ds(base + g * _CH, _CH), :], buf.at[slot], sems.at[slot]
        ).wait()

        @pl.when(g + _RING < _NCHUNK)
        def _next():
            start(g + _RING, slot)

        return carry

    lax.fori_loop(0, _NCHUNK, body, 0)
    outv[...] = buf[0, 0, pl.ds(0, 16)]
    pltpu.sync_copy(outv, out_hbm.at[wid])


@jax.jit
def kernel(input, target):
    out = _sc_probe(input)
    return out[0, 0]

# --- scband reference (transcript-rebuilt; emitter-appended) ---
"""Pipeline reference for scband-eceloss-42958262894785 (READ-ONLY COPY).

The authoritative reference and input builder live on the scoring server;
editing this copy changes nothing except your own understanding.
"""

import jax, jax.numpy as jnp
import numpy as np

N = 65536
C = 1000
N_BINS = 15


def setup_inputs(seed: int = 0) -> dict:
    key = jax.random.key(seed)
    k1, k2 = jax.random.split(key)
    x = jax.random.normal(k1, (N, C), dtype=jnp.float32)
    target = jax.random.randint(k2, (N,), 0, C, dtype=jnp.int32)
    return {"input": x, "target": target}


def reference(input, target):
    # ECELoss.forward (is_prob=False, reduction='mean')
    softmaxes = jax.nn.softmax(input, axis=1)
    confidences = jnp.max(softmaxes, axis=1)
    predictions = jnp.argmax(softmaxes, axis=1)
    accuracies = (predictions == target).astype(jnp.float32)

    bin_boundaries = np.linspace(0.0, 1.0, N_BINS + 1)
    bin_lowers = bin_boundaries[:-1]
    bin_uppers = bin_boundaries[1:]

    n = jnp.float32(input.shape[0])
    loss = jnp.zeros((), dtype=jnp.float32)
    for bin_lower, bin_upper in zip(bin_lowers, bin_uppers):
        in_bin = (confidences > float(bin_lower)) & (confidences <= float(bin_upper))
        in_bin_f = in_bin.astype(jnp.float32)
        cnt = jnp.sum(in_bin_f)
        prop_in_bin = cnt / n
        safe_cnt = jnp.maximum(cnt, 1.0)
        accuracy_in_bin = jnp.sum(accuracies * in_bin_f) / safe_cnt
        avg_confidence_in_bin = jnp.sum(confidences * in_bin_f) / safe_cnt
        term = jnp.where(prop_in_bin > 0,
                         jnp.abs(avg_confidence_in_bin - accuracy_in_bin) * prop_in_bin,
                         0.0)
        loss = loss + term
    # reduction='mean' over a single-element loss -> scalar
    return loss

if __name__ == "__main__":
    import jax
    _d = setup_inputs()
    print(jax.jit(kernel)(*tuple(_d.values())))

</pallas_src>

<mosaic_0001>
#map = affine_map<(d0, d1) -> (0, 0)>
module attributes {stable_mosaic.version = 14 : i64} {
  func.func @_sc_probe(%arg0: i32, %arg1: i32, %arg2: memref<65536x1000xf32, #tpu.memory_space<hbm>>, %arg3: memref<32x16xf32, #tpu.memory_space<hbm>>, %arg4: memref<4x16x1000xf32, #tpu.memory_space<vmem>>, %arg5: memref<16xf32, #tpu.memory_space<vmem>>, %arg6: memref<4x!tpu.dma_semaphore, #tpu.memory_space<semaphore_mem>>) attributes {dimension_semantics = [#tpu.dimension_semantics<core_parallel>, #tpu.dimension_semantics<subcore_parallel>], iteration_bounds = array<i64: 2, 16>, scalar_prefetch = 0 : i64, scratch_operands = 3 : i64, tpu.core_type = #tpu.core_type<sc_vector_subcore>, window_params = [{transform_indices = #map}, {transform_indices = #map}]} {
    %mul3A = arith.constant 2 : i32
    %mul3A_0 = arith.muli %arg1, %mul3A : i32
    %add3A = arith.addi %mul3A_0, %arg0 : i32
    %mul3A_1 = arith.constant 2048 : i32
    %mul3A_2 = arith.muli %add3A, %mul3A_1 : i32
    %add3A_3 = arith.constant 0 : i32
    %add3A_4 = arith.addi %mul3A_2, %add3A_3 : i32
    %dma_start3A = arith.constant 0 : i32
    %dma_start3A_5 = arith.constant 0 : i32
    %dma_start3A_6 = arith.constant 0 : i32
    %dma_start3A_7 = arith.constant 0 : i32
    %dma_start3A_8 = tpu.memref_slice %arg4[%dma_start3A, %dma_start3A_6, %dma_start3A_7] : memref<4x16x1000xf32, #tpu.memory_space<vmem>> -> memref<1x16x1000xf32, #tpu.memory_space<vmem>>
    %dma_start3A_9 = tpu.memref_squeeze %dma_start3A_8 : memref<1x16x1000xf32, #tpu.memory_space<vmem>> -> memref<16x1000xf32, #tpu.memory_space<vmem>>
    %dma_start3A_10 = arith.constant 0 : i32
    %dma_start3A_11 = tpu.memref_slice %arg2[%add3A_4, %dma_start3A_10] : memref<65536x1000xf32, #tpu.memory_space<hbm>> -> memref<16x1000xf32, #tpu.memory_space<hbm>>
    %dma_start3A_12 = tpu.memref_slice %arg6[%dma_start3A_5] : memref<4x!tpu.dma_semaphore, #tpu.memory_space<semaphore_mem>> -> memref<1x!tpu.dma_semaphore, #tpu.memory_space<semaphore_mem>>
    %dma_start3A_13 = tpu.memref_squeeze %dma_start3A_12 : memref<1x!tpu.dma_semaphore, #tpu.memory_space<semaphore_mem>> -> memref<!tpu.dma_semaphore, #tpu.memory_space<semaphore_mem>>
    %dma_start3A_14 = arith.constant 0 : i32
    %dma_start3A_15 = arith.constant 0 : i32
    %dma_start3A_16 = tpu.memref_slice %arg4[%dma_start3A, %dma_start3A_14, %dma_start3A_15] : memref<4x16x1000xf32, #tpu.memory_space<vmem>> -> memref<1x16x1000xf32, #tpu.memory_space<vmem>>
    %dma_start3A_17 = tpu.memref_squeeze %dma_start3A_16 : memref<1x16x1000xf32, #tpu.memory_space<vmem>> -> memref<16x1000xf32, #tpu.memory_space<vmem>>
    %dma_start3A_18 = arith.constant 0 : i32
    %dma_start3A_19 = tpu.memref_slice %arg2[%add3A_4, %dma_start3A_18] : memref<65536x1000xf32, #tpu.memory_space<hbm>> -> memref<16x1000xf32, #tpu.memory_space<hbm>>
    tpu.enqueue_dma source(%dma_start3A_19 : memref<16x1000xf32, #tpu.memory_space<hbm>>) target(%dma_start3A_17 : memref<16x1000xf32, #tpu.memory_space<vmem>>) target_semaphore(%dma_start3A_13 : memref<!tpu.dma_semaphore, #tpu.memory_space<semaphore_mem>>)
    %add3A_20 = arith.constant 16 : i32
    %add3A_21 = arith.addi %mul3A_2, %add3A_20 : i32
    %dma_start3A_22 = arith.constant 1 : i32
    %dma_start3A_23 = arith.constant 1 : i32
    %dma_start3A_24 = arith.constant 0 : i32
    %dma_start3A_25 = arith.constant 0 : i32
    %dma_start3A_26 = tpu.memref_slice %arg4[%dma_start3A_22, %dma_start3A_24, %dma_start3A_25] : memref<4x16x1000xf32, #tpu.memory_space<vmem>> -> memref<1x16x1000xf32, #tpu.memory_space<vmem>>
    %dma_start3A_27 = tpu.memref_squeeze %dma_start3A_26 : memref<1x16x1000xf32, #tpu.memory_space<vmem>> -> memref<16x1000xf32, #tpu.memory_space<vmem>>
    %dma_start3A_28 = arith.constant 0 : i32
    %dma_start3A_29 = tpu.memref_slice %arg2[%add3A_21, %dma_start3A_28] : memref<65536x1000xf32, #tpu.memory_space<hbm>> -> memref<16x1000xf32, #tpu.memory_space<hbm>>
    %dma_start3A_30 = tpu.memref_slice %arg6[%dma_start3A_23] : memref<4x!tpu.dma_semaphore, #tpu.memory_space<semaphore_mem>> -> memref<1x!tpu.dma_semaphore, #tpu.memory_space<semaphore_mem>>
    %dma_start3A_31 = tpu.memref_squeeze %dma_start3A_30 : memref<1x!tpu.dma_semaphore, #tpu.memory_space<semaphore_mem>> -> memref<!tpu.dma_semaphore, #tpu.memory_space<semaphore_mem>>
    %dma_start3A_32 = arith.constant 0 : i32
    %dma_start3A_33 = arith.constant 0 : i32
    %dma_start3A_34 = tpu.memref_slice %arg4[%dma_start3A_22, %dma_start3A_32, %dma_start3A_33] : memref<4x16x1000xf32, #tpu.memory_space<vmem>> -> memref<1x16x1000xf32, #tpu.memory_space<vmem>>
    %dma_start3A_35 = tpu.memref_squeeze %dma_start3A_34 : memref<1x16x1000xf32, #tpu.memory_space<vmem>> -> memref<16x1000xf32, #tpu.memory_space<vmem>>
    %dma_start3A_36 = arith.constant 0 : i32
    %dma_start3A_37 = tpu.memref_slice %arg2[%add3A_21, %dma_start3A_36] : memref<65536x1000xf32, #tpu.memory_space<hbm>> -> memref<16x1000xf32, #tpu.memory_space<hbm>>
    tpu.enqueue_dma source(%dma_start3A_37 : memref<16x1000xf32, #tpu.memory_space<hbm>>) target(%dma_start3A_35 : memref<16x1000xf32, #tpu.memory_space<vmem>>) target_semaphore(%dma_start3A_31 : memref<!tpu.dma_semaphore, #tpu.memory_space<semaphore_mem>>)
    %add3A_38 = arith.constant 32 : i32
    %add3A_39 = arith.addi %mul3A_2, %add3A_38 : i32
    %dma_start3A_40 = arith.constant 2 : i32
    %dma_start3A_41 = arith.constant 2 : i32
    %dma_start3A_42 = arith.constant 0 : i32
    %dma_start3A_43 = arith.constant 0 : i32
    %dma_start3A_44 = tpu.memref_slice %arg4[%dma_start3A_40, %dma_start3A_42, %dma_start3A_43] : memref<4x16x1000xf32, #tpu.memory_space<vmem>> -> memref<1x16x1000xf32, #tpu.memory_space<vmem>>
    %dma_start3A_45 = tpu.memref_squeeze %dma_start3A_44 : memref<1x16x1000xf32, #tpu.memory_space<vmem>> -> memref<16x1000xf32, #tpu.memory_space<vmem>>
    %dma_start3A_46 = arith.constant 0 : i32
    %dma_start3A_47 = tpu.memref_slice %arg2[%add3A_39, %dma_start3A_46] : memref<65536x1000xf32, #tpu.memory_space<hbm>> -> memref<16x1000xf32, #tpu.memory_space<hbm>>
    %dma_start3A_48 = tpu.memref_slice %arg6[%dma_start3A_41] : memref<4x!tpu.dma_semaphore, #tpu.memory_space<semaphore_mem>> -> memref<1x!tpu.dma_semaphore, #tpu.memory_space<semaphore_mem>>
    %dma_start3A_49 = tpu.memref_squeeze %dma_start3A_48 : memref<1x!tpu.dma_semaphore, #tpu.memory_space<semaphore_mem>> -> memref<!tpu.dma_semaphore, #tpu.memory_space<semaphore_mem>>
    %dma_start3A_50 = arith.constant 0 : i32
    %dma_start3A_51 = arith.constant 0 : i32
    %dma_start3A_52 = tpu.memref_slice %arg4[%dma_start3A_40, %dma_start3A_50, %dma_start3A_51] : memref<4x16x1000xf32, #tpu.memory_space<vmem>> -> memref<1x16x1000xf32, #tpu.memory_space<vmem>>
    %dma_start3A_53 = tpu.memref_squeeze %dma_start3A_52 : memref<1x16x1000xf32, #tpu.memory_space<vmem>> -> memref<16x1000xf32, #tpu.memory_space<vmem>>
    %dma_start3A_54 = arith.constant 0 : i32
    %dma_start3A_55 = tpu.memref_slice %arg2[%add3A_39, %dma_start3A_54] : memref<65536x1000xf32, #tpu.memory_space<hbm>> -> memref<16x1000xf32, #tpu.memory_space<hbm>>
    tpu.enqueue_dma source(%dma_start3A_55 : memref<16x1000xf32, #tpu.memory_space<hbm>>) target(%dma_start3A_53 : memref<16x1000xf32, #tpu.memory_space<vmem>>) target_semaphore(%dma_start3A_49 : memref<!tpu.dma_semaphore, #tpu.memory_space<semaphore_mem>>)
    %add3A_56 = arith.constant 48 : i32
    %add3A_57 = arith.addi %mul3A_2, %add3A_56 : i32
    %dma_start3A_58 = arith.constant 3 : i32
    %dma_start3A_59 = arith.constant 3 : i32
    %dma_start3A_60 = arith.constant 0 : i32
    %dma_start3A_61 = arith.constant 0 : i32
    %dma_start3A_62 = tpu.memref_slice %arg4[%dma_start3A_58, %dma_start3A_60, %dma_start3A_61] : memref<4x16x1000xf32, #tpu.memory_space<vmem>> -> memref<1x16x1000xf32, #tpu.memory_space<vmem>>
    %dma_start3A_63 = tpu.memref_squeeze %dma_start3A_62 : memref<1x16x1000xf32, #tpu.memory_space<vmem>> -> memref<16x1000xf32, #tpu.memory_space<vmem>>
    %dma_start3A_64 = arith.constant 0 : i32
    %dma_start3A_65 = tpu.memref_slice %arg2[%add3A_57, %dma_start3A_64] : memref<65536x1000xf32, #tpu.memory_space<hbm>> -> memref<16x1000xf32, #tpu.memory_space<hbm>>
    %dma_start3A_66 = tpu.memref_slice %arg6[%dma_start3A_59] : memref<4x!tpu.dma_semaphore, #tpu.memory_space<semaphore_mem>> -> memref<1x!tpu.dma_semaphore, #tpu.memory_space<semaphore_mem>>
    %dma_start3A_67 = tpu.memref_squeeze %dma_start3A_66 : memref<1x!tpu.dma_semaphore, #tpu.memory_space<semaphore_mem>> -> memref<!tpu.dma_semaphore, #tpu.memory_space<semaphore_mem>>
    %dma_start3A_68 = arith.constant 0 : i32
    %dma_start3A_69 = arith.constant 0 : i32
    %dma_start3A_70 = tpu.memref_slice %arg4[%dma_start3A_58, %dma_start3A_68, %dma_start3A_69] : memref<4x16x1000xf32, #tpu.memory_space<vmem>> -> memref<1x16x1000xf32, #tpu.memory_space<vmem>>
    %dma_start3A_71 = tpu.memref_squeeze %dma_start3A_70 : memref<1x16x1000xf32, #tpu.memory_space<vmem>> -> memref<16x1000xf32, #tpu.memory_space<vmem>>
    %dma_start3A_72 = arith.constant 0 : i32
    %dma_start3A_73 = tpu.memref_slice %arg2[%add3A_57, %dma_start3A_72] : memref<65536x1000xf32, #tpu.memory_space<hbm>> -> memref<16x1000xf32, #tpu.memory_space<hbm>>
    tpu.enqueue_dma source(%dma_start3A_73 : memref<16x1000xf32, #tpu.memory_space<hbm>>) target(%dma_start3A_71 : memref<16x1000xf32, #tpu.memory_space<vmem>>) target_semaphore(%dma_start3A_67 : memref<!tpu.dma_semaphore, #tpu.memory_space<semaphore_mem>>)
    %scan3A = arith.constant 0 : i32
    %scan3A_74 = arith.constant 0 : i32
    %scan3A_75 = arith.constant 128 : i32
    %scan3A_76 = arith.addi %scan3A_74, %scan3A_75 : i32
    %scan3A_77 = arith.constant 1 : i32
    scf.for %scan3A_88 = %scan3A_74 to %scan3A_76 step %scan3A_77  : i32 {
      %rem3A = arith.constant 4 : i32
      %rem3A_89 = arith.remsi %scan3A_88, %rem3A : i32
      %mul3A_90 = arith.constant 16 : i32
      %mul3A_91 = arith.muli %scan3A_88, %mul3A_90 : i32
      %add3A_92 = arith.addi %mul3A_2, %mul3A_91 : i32
      %dma_wait3A = arith.constant 0 : i32
      %dma_wait3A_93 = arith.constant 0 : i32
      %dma_wait3A_94 = tpu.memref_slice %arg4[%rem3A_89, %dma_wait3A, %dma_wait3A_93] : memref<4x16x1000xf32, #tpu.memory_space<vmem>> -> memref<1x16x1000xf32, #tpu.memory_space<vmem>>
      %dma_wait3A_95 = tpu.memref_squeeze %dma_wait3A_94 : memref<1x16x1000xf32, #tpu.memory_space<vmem>> -> memref<16x1000xf32, #tpu.memory_space<vmem>>
      %dma_wait3A_96 = arith.constant 0 : i32
      %dma_wait3A_97 = tpu.memref_slice %arg2[%add3A_92, %dma_wait3A_96] : memref<65536x1000xf32, #tpu.memory_space<hbm>> -> memref<16x1000xf32, #tpu.memory_space<hbm>>
      %dma_wait3A_98 = tpu.memref_slice %arg6[%rem3A_89] : memref<4x!tpu.dma_semaphore, #tpu.memory_space<semaphore_mem>> -> memref<1x!tpu.dma_semaphore, #tpu.memory_space<semaphore_mem>>
      %dma_wait3A_99 = tpu.memref_squeeze %dma_wait3A_98 : memref<1x!tpu.dma_semaphore, #tpu.memory_space<semaphore_mem>> -> memref<!tpu.dma_semaphore, #tpu.memory_space<semaphore_mem>>
      %dma_wait3A_100 = arith.constant 0 : i32
      %dma_wait3A_101 = arith.constant 0 : i32
      %dma_wait3A_102 = tpu.memref_slice %arg4[%rem3A_89, %dma_wait3A_100, %dma_wait3A_101] : memref<4x16x1000xf32, #tpu.memory_space<vmem>> -> memref<1x16x1000xf32, #tpu.memory_space<vmem>>
      %dma_wait3A_103 = tpu.memref_squeeze %dma_wait3A_102 : memref<1x16x1000xf32, #tpu.memory_space<vmem>> -> memref<16x1000xf32, #tpu.memory_space<vmem>>
      %dma_wait3A_104 = arith.constant 0 : i32
      %dma_wait3A_105 = tpu.memref_slice %arg2[%add3A_92, %dma_wait3A_104] : memref<65536x1000xf32, #tpu.memory_space<hbm>> -> memref<16x1000xf32, #tpu.memory_space<hbm>>
      tpu.wait_dma2 semaphore(%dma_wait3A_99 : memref<!tpu.dma_semaphore, #tpu.memory_space<semaphore_mem>>) src(%dma_wait3A_105 : memref<16x1000xf32, #tpu.memory_space<hbm>>) dst(%dma_wait3A_103 : memref<16x1000xf32, #tpu.memory_space<vmem>>)
      %add3A_106 = arith.constant 4 : i32
      %add3A_107 = arith.addi %scan3A_88, %add3A_106 : i32
      %lt3A = arith.constant 128 : i32
      %lt3A_108 = arith.cmpi slt, %add3A_107, %lt3A : i32
      %convert_element_type3A = arith.extui %lt3A_108 : i1 to i32
      %cond3A = arith.constant 0 : i32
      %cond3A_109 = arith.cmpi ne, %convert_element_type3A, %cond3A : i32
      scf.if %cond3A_109 {
        %add3A_110 = arith.constant 4 : i32
        %add3A_111 = arith.addi %scan3A_88, %add3A_110 : i32
        %mul3A_112 = arith.constant 16 : i32
        %mul3A_113 = arith.muli %add3A_111, %mul3A_112 : i32
        %add3A_114 = arith.addi %mul3A_2, %mul3A_113 : i32
        %dma_start3A_115 = arith.constant 0 : i32
        %dma_start3A_116 = arith.constant 0 : i32
        %dma_start3A_117 = tpu.memref_slice %arg4[%rem3A_89, %dma_start3A_115, %dma_start3A_116] : memref<4x16x1000xf32, #tpu.memory_space<vmem>> -> memref<1x16x1000xf32, #tpu.memory_space<vmem>>
        %dma_start3A_118 = tpu.memref_squeeze %dma_start3A_117 : memref<1x16x1000xf32, #tpu.memory_space<vmem>> -> memref<16x1000xf32, #tpu.memory_space<vmem>>
        %dma_start3A_119 = arith.constant 0 : i32
        %dma_start3A_120 = tpu.memref_slice %arg2[%add3A_114, %dma_start3A_119] : memref<65536x1000xf32, #tpu.memory_space<hbm>> -> memref<16x1000xf32, #tpu.memory_space<hbm>>
        %dma_start3A_121 = tpu.memref_slice %arg6[%rem3A_89] : memref<4x!tpu.dma_semaphore, #tpu.memory_space<semaphore_mem>> -> memref<1x!tpu.dma_semaphore, #tpu.memory_space<semaphore_mem>>
        %dma_start3A_122 = tpu.memref_squeeze %dma_start3A_121 : memref<1x!tpu.dma_semaphore, #tpu.memory_space<semaphore_mem>> -> memref<!tpu.dma_semaphore, #tpu.memory_space<semaphore_mem>>
        %dma_start3A_123 = arith.constant 0 : i32
        %dma_start3A_124 = arith.constant 0 : i32
        %dma_start3A_125 = tpu.memref_slice %arg4[%rem3A_89, %dma_start3A_123, %dma_start3A_124] : memref<4x16x1000xf32, #tpu.memory_space<vmem>> -> memref<1x16x1000xf32, #tpu.memory_space<vmem>>
        %dma_start3A_126 = tpu.memref_squeeze %dma_start3A_125 : memref<1x16x1000xf32, #tpu.memory_space<vmem>> -> memref<16x1000xf32, #tpu.memory_space<vmem>>
        %dma_start3A_127 = arith.constant 0 : i32
        %dma_start3A_128 = tpu.memref_slice %arg2[%add3A_114, %dma_start3A_127] : memref<65536x1000xf32, #tpu.memory_space<hbm>> -> memref<16x1000xf32, #tpu.memory_space<hbm>>
        tpu.enqueue_dma source(%dma_start3A_128 : memref<16x1000xf32, #tpu.memory_space<hbm>>) target(%dma_start3A_126 : memref<16x1000xf32, #tpu.memory_space<vmem>>) target_semaphore(%dma_start3A_122 : memref<!tpu.dma_semaphore, #tpu.memory_space<semaphore_mem>>)
      } else {
      }
    }
    %scan3A_78 = arith.constant 128 : i32
    %get3A = arith.constant 0 : i32
    %get3A_79 = arith.constant 0 : i32
    %get3A_80 = arith.index_cast %get3A : i32 to index
    %get3A_81 = arith.index_cast %get3A_79 : i32 to index
    %get3A_82 = arith.constant 0 : index
    %get3A_83 = tpu.vector_load %arg4[%get3A_80, %get3A_81, %get3A_82] {strides = array<i32>} : memref<4x16x1000xf32, #tpu.memory_space<vmem>>, vector<1x1x16xf32>,
    %get3A_84 = vector.shape_cast %get3A_83 : vector<1x1x16xf32> to vector<16xf32>
    %swap3A = arith.constant 0 : index
    %swap3A_85 = tpu.vector_load %arg5[%swap3A] {strides = array<i32>} : memref<16xf32, #tpu.memory_space<vmem>>, vector<16xf32>,
    %swap3A_86 = vector.shape_cast %swap3A_85 : vector<16xf32> to vector<16xf32>
    %swap3A_87 = vector.shape_cast %get3A_84 : vector<16xf32> to vector<16xf32>
    tpu.vector_store %arg5[%swap3A], %swap3A_87 {strides = array<i32>} : memref<16xf32, #tpu.memory_space<vmem>>, vector<16xf32>,
    "tpu.region"() ({
      %run_scoped3A = tpu.sem_alloc : memref<!tpu.dma_semaphore, #tpu.memory_space<semaphore_mem>>
      %dma_start3A_88 = arith.constant 0 : i32
      %dma_start3A_89 = tpu.memref_slice %arg3[%add3A, %dma_start3A_88] : memref<32x16xf32, #tpu.memory_space<hbm>> -> memref<1x16xf32, #tpu.memory_space<hbm>>
      %dma_start3A_90 = tpu.memref_squeeze %dma_start3A_89 : memref<1x16xf32, #tpu.memory_space<hbm>> -> memref<16xf32, #tpu.memory_space<hbm>>
      %dma_start3A_91 = arith.constant 0 : i32
      %dma_start3A_92 = tpu.memref_slice %arg3[%add3A, %dma_start3A_91] : memref<32x16xf32, #tpu.memory_space<hbm>> -> memref<1x16xf32, #tpu.memory_space<hbm>>
      %dma_start3A_93 = tpu.memref_squeeze %dma_start3A_92 : memref<1x16xf32, #tpu.memory_space<hbm>> -> memref<16xf32, #tpu.memory_space<hbm>>
      tpu.enqueue_dma source(%arg5 : memref<16xf32, #tpu.memory_space<vmem>>) target(%dma_start3A_93 : memref<16xf32, #tpu.memory_space<hbm>>) target_semaphore(%run_scoped3A : memref<!tpu.dma_semaphore, #tpu.memory_space<semaphore_mem>>)
      %dma_wait3A = arith.constant 0 : i32
      %dma_wait3A_94 = tpu.memref_slice %arg3[%add3A, %dma_wait3A] : memref<32x16xf32, #tpu.memory_space<hbm>> -> memref<1x16xf32, #tpu.memory_space<hbm>>
      %dma_wait3A_95 = tpu.memref_squeeze %dma_wait3A_94 : memref<1x16xf32, #tpu.memory_space<hbm>> -> memref<16xf32, #tpu.memory_space<hbm>>
      %dma_wait3A_96 = arith.constant 0 : i32
      %dma_wait3A_97 = tpu.memref_slice %arg3[%add3A, %dma_wait3A_96] : memref<32x16xf32, #tpu.memory_space<hbm>> -> memref<1x16xf32, #tpu.memory_space<hbm>>
      %dma_wait3A_98 = tpu.memref_squeeze %dma_wait3A_97 : memref<1x16xf32, #tpu.memory_space<hbm>> -> memref<16xf32, #tpu.memory_space<hbm>>
      tpu.wait_dma2 semaphore(%run_scoped3A : memref<!tpu.dma_semaphore, #tpu.memory_space<semaphore_mem>>) src(%arg5 : memref<16xf32, #tpu.memory_space<vmem>>) dst(%dma_wait3A_98 : memref<16xf32, #tpu.memory_space<hbm>>)
      tpu.yield
    }) : () -> ()
    return
  }
}

</mosaic_0001>

<sc_bundles>
// kernel: kernel.3.cloned.1.call-start
scs
__scs_entry_jumppad:
0x0: {  	(pc) =	sbr.rel $0x88, $3  }
0x1: {  	(tag) =	ssettag $0x0;
	lr =	simm.s32 $0x1  }
0x2: {  	[smem:$0x3FA0] =	sst lr;
	_ =	strace $0xD0000000  }
0x3: {  	_ = 	snop  }
0x4: {  	_ = 	snop  }
0x5: {  	_ = 	snop  }
0x6: {  	_ = 	snop  }
0x7: {  	_ = 	snop  }
__scs_overlays_trampoline_lowered:
0x8: {  	[smem:$0x3FAF] =	sst s0  }
0x9: {  	[smem:$0x3FB0] =	sst s1  }
0xa: {  	[smem:$0x3FB1] =	sst s2  }
0xb: {  	[smem:$0x3FB2] =	sst s3  }
0xc: {  	[smem:$0x3FB3] =	sst s4  }
0xd: {  	[smem:$0x3FB4] =	sst s5  }
0xe: {  	[smem:$0x3FB5] =	sst s6  }
0xf: {  	[smem:$0x3FB6] =	sst s7  }
0x10: {  	[smem:$0x3FB7] =	sst s8  }
0x11: {  	[smem:$0x3FB8] =	sst s9;
	s0 =	simm.s32 @!p0 $0x0  }
0x12: {  	s1 =	sld [smem:$0x3F9E];
	s0 =	simm.s32 @p0 $0x1  }
0x13: {  	[smem:$0x3FB9] =	sst s0;
	s0 =	simm.s32 @!p1 $0x0  }
0x14: {  	s2 =	sld [smem:$0x3F9D];
	s0 =	simm.s32 @p1 $0x1  }
0x15: {  	[smem:$0x3FBA] =	sst s0;
	s0 =	simm.s32 @!p2 $0x0  }
0x16: {  	s3 =	sld [smem:$0x3FDB];
	s0 =	simm.s32 @p2 $0x1  }
0x17: {  	s4 =	simm.s32 $0x1BF5;
	[smem:$0x3FBC] =	sst s0  }
0x18: {  	s0 =	sld [smem:$0x3F9F];
	_ =	swait.ge [sflag:s4], $0x0  }
0x19: {  	s7 =	sld [smem:$0x3FA0]  }
0x1a: {  	s8 =	sadd.s32 $0xFFFFE003, lr  }
0x1b: {  	s9 =	sadd.s32 $0xFFFFFEF7, lr;
	s5 =	simm.s32 $0xFFFFFFFF;
	p2 =	slt.u32 s8, $0xFFFFF086  }
0x1c: {  	p1 =	slt.u32 s9, $0xF7A;
	s5 =	simm.s32 @!p2 $0x0  }
0x1d: {  	s5 =	simm.s32 @p1 $0x1;
	p0 =	seq.s32 s7, s2  }
0x1e: {  	s7 =	smul.u32 @!p0 $0xF7A, s2;
	p2 =	seq.s32 @!p0 s5, $0x0  }
0x1f: {  	s9 =	smul.u32 $0xF7A, s1;
	s8 =	simm.s32 @!p0 $0x1BF5;
	p2 =	por !p2, p0  }
0x20: {  	[sflag:s8] =	ssyncset.s32 @!p0 $0xFFFFF086;
	s6 =	sadd.s32 @!p0 s3, s7;
	s7 =	simm.s32 @!p0 $0x108  }
0x21: {  	s3 =	sadd.s32 s3, s9;
	s6 =	sadd.s32 @!p0 $0x88, s6;
	s7 =	simm.s32 @p2 $0x1082  }
0x22: {  	[simem:s7], [sflag:s8] =	dma.local @!p0 [hbm:s6], $0xF7A  }
0x23: {  	s9 =	sor.u32 $0xD0000000, s2;
	s6 =	simm.s32 $0x108;
	_ =	swait.ge @!p0 [sflag:s8], $0x0  }
0x24: {  	s3 =	sadd.s32 $0x88, s3;
	s6 =	simm.s32 @!p1 $0x1082;
	[sflag:s4] =	ssyncset.s32 $0xFFFFF086  }
0x25: {  	[simem:s6], [sflag:s4] =	dma.local [hbm:s3], $0xF7A  }
0x26: {  	[smem:$0x3FA0] =	sst s1;
	(tag) =	ssettag s2;
	_ =	strace s9  }
0x27: {  	s1 =	sld [smem:$0x3FB0]  }
0x28: {  	s2 =	sld [smem:$0x3FB1]  }
0x29: {  	s4 =	sld [smem:$0x3FB3]  }
0x2a: {  	p0 =	seq.s32 s5, $0x0;
	s5 =	sld [smem:$0x3FB4]  }
0x2b: {  	s6 =	sld [smem:$0x3FB5]  }
0x2c: {  	s7 =	sld [smem:$0x3FB6]  }
0x2d: {  	s3 =	simm.s32 $0x108;
	s8 =	sld [smem:$0x3FB7]  }
0x2e: {  	s3 =	simm.s32 @!p0 $0x1082;
	s9 =	sld [smem:$0x3FB8]  }
0x2f: {  	lr =	sadd.s32 s0, s3;
	s0 =	sld [smem:$0x3FAF]  }
0x30: {  	s3 =	sld [smem:$0x3FB2]  }
0x31: {  	[smem:$0x3FBB] =	sst s10  }
0x32: {  	s10 =	sld [smem:$0x3FB9];
	_ =	sdelay $0x3  }
0x33: {  	p0 =	seq.s32 s10, $0x1;
	s10 =	sld [smem:$0x3FBB];
	_ =	sdelay $0x3  }
0x34: {  	[smem:$0x3FBB] =	sst s10  }
0x35: {  	s10 =	sld [smem:$0x3FBA];
	_ =	sdelay $0x3  }
0x36: {  	p1 =	seq.s32 s10, $0x1;
	s10 =	sld [smem:$0x3FBB];
	_ =	sdelay $0x3  }
0x37: {  	[smem:$0x3FBB] =	sst s10  }
0x38: {  	s10 =	sld [smem:$0x3FBC]  }
0x39: {  	_ = 	snop;
	(pc) =	sbr.ind lr, $3  }
0x3a: {  	_ = 	snop  }
0x3b: {  	_ = 	snop  }
0x3c: {  	p2 =	seq.s32 s10, $0x1;
	s10 =	sld [smem:$0x3FBB]  }
0x3d: {  	_ =	shalt  }
0x3e: {  	_ =	shalt  }
0x3f: {  	_ =	shalt  }
0x40: {  	_ =	shalt  }
0x41: {  	_ =	shalt  }
0x42: {  	_ =	shalt  }
0x43: {  	_ =	shalt  }
0x44: {  	_ =	shalt  }
0x45: {  	_ =	shalt  }
0x46: {  	_ =	shalt  }
0x47: {  	_ =	shalt  }
0x48: {  	_ =	shalt  }
0x49: {  	_ =	shalt  }
0x4a: {  	_ =	shalt  }
0x4b: {  	_ =	shalt  }
0x4c: {  	_ =	shalt  }
0x4d: {  	_ =	shalt  }
0x4e: {  	_ =	shalt  }
0x4f: {  	_ =	shalt  }
0x50: {  	_ =	shalt  }
0x51: {  	_ =	shalt  }
0x52: {  	_ =	shalt  }
0x53: {  	_ =	shalt  }
0x54: {  	_ =	shalt  }
0x55: {  	_ =	shalt  }
0x56: {  	_ =	shalt  }
0x57: {  	_ =	shalt  }
0x58: {  	_ =	shalt  }
0x59: {  	_ =	shalt  }
0x5a: {  	_ =	shalt  }
0x5b: {  	_ =	shalt  }
0x5c: {  	_ =	shalt  }
0x5d: {  	_ =	shalt  }
0x5e: {  	_ =	shalt  }
0x5f: {  	_ =	shalt  }
0x60: {  	_ =	shalt  }
0x61: {  	_ =	shalt  }
0x62: {  	_ =	shalt  }
0x63: {  	_ =	shalt  }
0x64: {  	_ =	shalt  }
0x65: {  	_ =	shalt  }
0x66: {  	_ =	shalt  }
0x67: {  	_ =	shalt  }
0x68: {  	_ =	shalt  }
0x69: {  	_ =	shalt  }
0x6a: {  	_ =	shalt  }
0x6b: {  	_ =	shalt  }
0x6c: {  	_ =	shalt  }
0x6d: {  	_ =	shalt  }
0x6e: {  	_ =	shalt  }
0x6f: {  	_ =	shalt  }
0x70: {  	_ =	shalt  }
0x71: {  	_ =	shalt  }
0x72: {  	_ =	shalt  }
0x73: {  	_ =	shalt  }
0x74: {  	_ =	shalt  }
0x75: {  	_ =	shalt  }
0x76: {  	_ =	shalt  }
0x77: {  	_ =	shalt  }
0x78: {  	_ =	shalt  }
0x79: {  	_ =	shalt  }
0x7a: {  	_ =	shalt  }
0x7b: {  	_ =	shalt  }
0x7c: {  	_ =	shalt  }
0x7d: {  	_ =	shalt  }
0x7e: {  	_ =	shalt  }
0x7f: {  	_ =	shalt  }
0x80: {  	_ =	shalt  }
0x81: {  	_ =	shalt  }
0x82: {  	_ =	shalt  }
0x83: {  	_ =	shalt  }
0x84: {  	_ =	shalt  }
0x85: {  	_ =	shalt  }
0x86: {  	_ =	shalt  }
0x87: {  	_ =	shalt  }
.Lfunc_end0:
.L_simem_size_0:
called_computation_lowered:
.L_overlay_start_0:
0x88: {  	s2 =	sld [smem:$0x3FD9]  }
0x89: {  	s3 =	sld [smem:$0x3FFE];
	_ =	sdelay $0x1  }
0x8a: {  	s1 =	srdreg.scid  }
0x8b: {  	s0 =	sand.u32 $0x1, s1  }
0x8c: {  	s16 =	sshll.u32 s0, $0xA;
	s2 =	sadd.s32 s3, s2  }
0x8d: {  	s2 =	sadd.s32 s2, s16  }
0x8e: {  	[smem:$0x3FC7] =	sst s2  }
0x8f: {  	_ = 	snop  }
0x90: {  	(tm) =	ssettm $0x1  }
0x91: {  	s17 =	sld [smem:$0x3FFB];
	_ =	sdelay $0x3  }
0x92: {  	_ =	strace s17  }
0x93: {  	s2 =	sld [smem:$0x3FFC];
	_ =	sdelay $0x3  }
0x94: {  	_ =	strace s2  }
0x95: {  	s2 =	sld [smem:$0x3FFD];
	_ =	sdelay $0x3  }
0x96: {  	_ =	strace s2  }
0x97: {  	_ =	strace $0x8FFFFFFF  }
0x98: {  	s18 =	sld [smem:$0x3FDB];
	_ =	sdelay $0x1  }
0x99: {  	s19 =	simm.s32 $_scs_section_size  }
0x9a: {  	s4 =	simm.s32 $_size__tile_overlayer_lowered;
	s5 =	simm.s32 $_tile_overlayer_lowered  }
0x9b: {  	s22 =	simm.s32 $0x1BFF;
	s21 =	sshll.u32 s5, $0x1;
	s2 =	sadd.s32 s19, s18  }
0x9c: {  	s6 =	simm.s32 $0x0;
	s20 =	sshll.u32 s4, $0x1;
	s4 =	sadd.s32 s21, s2  }
0x9d: {  	[timem:s6], [sflag:s22] =	dma.local [hbm:s4], s20  }
0x9e: {  	_ =	swait.ge [sflag:s22], s20  }
0x9f: {  	s3 =	ssub.s32 $0x0, s20;
	[sflag:s22] =	ssyncset.done $0x0  }
0xa0: {  	[sflag:s22] =	ssyncadd.s32 s3;
	_ =	sdelay $0x1  }
0xa1: {  	s23 =	simm.s32 $0x1B8B  }
0xa2: {  	_ =	swait.ge [sflag:s23], $0x1  }
0xa3: {  	[sflag:s23] =	ssyncset.done $0x0  }
0xa4: {  	s25 =	simm.s32 $0x1B8E;
	s24 =	sld [smem:$0x3FFE];
	[sflag:s23] =	ssyncadd.s32 $0xFFFFFFFF  }
0xa5: {  	s26 =	simm.s32 $execute0_lowered;
	[smem:$0x3FD2] =	sst s25  }
0xa6: {  	s4 =	sshll.u32 s26, $0x1;
	_ =	strace $0x80000046;
	[dreg:$0x1] =	wrdreg $0xFFFFFFFF  }
0xa7: {  	s28 =	simm.s32 $_size_execute0_lowered;
	s2 =	sadd.s32 s2, s4;
	[dreg:$0x0] =	wrdreg $0x0  }
0xa8: {  	s4 =	sshll.u32 s28, $0x1;
	[dreg:$0x2] =	wrdreg s2  }
0xa9: {  	[dreg:$0x3] =	wrdreg s4  }
0xaa: {  	[dreg:$0x4] =	wrdreg $0xC0  }
0xab: {  	_ =	task [dreg:s6], $0x5FFFF  }
0xac: {  	[dreg:$0x1] =	wrdreg $0xFFFFFFFF  }
0xad: {  	[dreg:$0x0] =	wrdreg $0x60  }
0xae: {  	[dreg:$0x2] =	wrdreg s24  }
0xaf: {  	[dreg:$0x3] =	wrdreg $0x9  }
0xb0: {  	_ =	task.clear_ibuf [dreg:s6], $0x4FFFF;
	_ =	strace $0x90000046  }
0xb1: {  	s29 =	simm.s32 $0x9;
	_ =	strace $0x80000048  }
0xb2: {  	_ =	swait.ge [sflag:s29], $0x1  }
0xb3: {  	[sflag:s29] =	ssyncadd.s32 $0xFFFFFFFF  }
0xb4: {  	_ =	strace $0x90000048  }
0xb5: {  	_ =	sfence  }
0xb6: {  	s30 =	sld [smem:$0x0];
	_ =	sdelay $0x2  }
0xb7: {  	s31 =	sshll.u32 s1, $0xD;
	s1 =	sshrl.u32 s1, $0x2  }
0xb8: {  	s3 =	sand.u32 $0x4000, s31;
	s1 =	sadd.s32 s1, s30  }
0xb9: {  	s0 =	sor.u32 s3, s0;
	s1 =	sshll.u32 s1, $0x11  }
0xba: {  	s0 =	sor.u32 s1, s0  }
0xbb: {  	s0 =	sadd.s32 $0x8F2B, s0  }
0xbc: {  	[sflag:s0] =	ssyncadd.remote.s32 $0x1  }
0xbd: {  	_ =	sfence.sel $0xFFFF  }
0xbe: {  	[dreg:$0x0] =	wrdreg $0xFFFFFFFF;
	(pc) =	sbr.abs _section_cstart, $3  }
0xbf: {  	[dreg:$0x1] =	wrdreg $0xFFFFFFFF  }
0xc0: {  	_ =	task.clear_ibuf [dreg:s6], $0x2FFFF;
	_ =	strace $0x9FFFFFFF  }
0xc1: {  	(tm) =	ssettm $0x7FFFFFFF  }
tec
execute0_lowered:
.L_overlay_start_1:
0x0: {  	(tag) =	ssettag $0x1  }
0x1: {  	s3 =	rddreg [dreg:$0x0]  }
0x2: {  	s0 =	rddreg [dreg:$0x1];
	s2 =	simm.s32 $0x0;
	s4 =	srdreg.scid  }
0x3: {  	s1 =	stileid.u32;
	s11 =	simm.s32 $0x8000;
	s12 =	simm.s32 $0xC000  }
0x4: {  	s13 =	simm.s32 $0x10000;
	s14 =	simm.s32 $0x5;
	s15 =	simm.s32 $0x0  }
0x5: {  	[smem:$0x7FF] =	sst s2;
	s5 =	sand.u32 $0x1, s4;
	s30 =	sshll.u32 s1, $0x1  }
0x6: {  	s6 =	sadd.s32 $0x400, s3;
	s9 =	sshll.u32 s1, $0x13;
	_ =	strace $0x80000047  }
0x7: {  	s4 =	sor.u32 s5, s30;
	s8 =	ssub.s32 $0x2, s5;
	s9 =	sadd.s32 s9, s6  }
0x8: {  	s10 =	sshll.u32 s5, $0x12;
	s7 =	sshll.u32 s4, $0x4;
	s31 =	sshrl.u32 s8, $0x1  }
0x9: {  	s4 =	sshll.u32 s4, $0x12;
	s9 =	sadd.s32 s10, s9;
	s10 =	simm.s32 $0x4000  }
0xa: {  	s7 =	sadd.s32 s7, s3;
	s8 =	ssub.s32 s8, s31;
	s3 =	sadd.s32 s6, s4  }
0xb: {  	s9 =	sadd.s32 $0x2000, s9;
	s4 =	sadd.s32 $0x800, s3;
	s5 =	sadd.s32 $0x1000, s3  }
0xc: {  	s6 =	sadd.s32 $0x1800, s3;
	s7 =	sadd.s32 $0x800400, s7;
	s8 =	smax.u32 s8, $0x1  }
.LBB2_1:
0xd: {  	[tilespmem:s2], [sflag:$0x1] =	stream.linear.gather [hbm4b:s3+s2], $0x4000, $0x38;
	[tilespmem:$0x10080] =	vst v63  }
0xe: {  	_ = 	snop  }
0xf: {  	[tilespmem:s10], [sflag:$0x2] =	stream.linear.gather [hbm4b:s4+s2], $0x4000, $0x38;
	[tilespmem:$0x10080] =	vst v63  }
0x10: {  	s19 =	sand.u32 $0x3, s2  }
0x11: {  	[tilespmem:s11], [sflag:$0x3] =	stream.linear.gather [hbm4b:s5+s2], $0x4000, $0x38;
	[tilespmem:$0x10080] =	vst v63  }
0x12: {  	s18 =	sadd.s32 $0x1, s19  }
0x13: {  	[tilespmem:s12], [sflag:$0x4] =	stream.linear.gather [hbm4b:s6+s2], $0x4000, $0x38;
	[tilespmem:$0x10080] =	vst v63  }
0x14: {  	s16 =	simm.s32 $0x1;
	p0 =	por $0x0, $0x0;
	_ =	swait.ge [sflag:s18], $0x4000  }
0x15: {  	s17 =	sadd.s32 $0x800, s9;
	s20 =	sshll.u32 @!p0 s19, $0xE;
	[sflag:s18] =	ssyncset.done $0x0  }
0x16: {  	s21 =	simm.s32 @!p0 $0x0;
	s19 =	smov.u32 s9;
	[sflag:s18] =	ssyncadd.s32 $0xFFFFC000  }
.LBB2_2:
0x17: {  	[tilespmem:s20], [sflag:s18] =	stream.linear.gather @!p0 [hbm4b:s19+s21], $0x4000, $0x38;
	[tilespmem:$0x10080] =	vst v63  }
0x18: {  	s20 =	smov.u32 s16;
	s16 =	sadd.s32 $0x1, s16  }
0x19: {  	s19 =	smov.u32 s17;
	p1 =	sne.s32 s16, $0x80  }
.Ltmp0:
0x1a: {  	s21 =	sand.u32 $0x3, s20;
	(pc) =	sbr.rel @p1 .LBB2_2-.Ltmp0, $4  }
0x1b: {  	s18 =	sadd.s32 $0x1, s21  }
0x1c: {  	_ =	swait.ge [sflag:s18], $0x4000  }
0x1d: {  	s17 =	sadd.s32 $0x800, s17;
	p0 =	sgt.u32 s20, $0x7B;
	[sflag:s18] =	ssyncset.done $0x0  }
0x1e: {  	s20 =	sshll.u32 @!p0 s21, $0xE;
	s21 =	simm.s32 @!p0 $0x0;
	[sflag:s18] =	ssyncadd.s32 $0xFFFFC000  }
0x1f: {  	[tilespmem:s20], [sflag:s18] =	stream.linear.gather @!p0 [hbm4b:s19+s21], $0x4000, $0x38;
	[tilespmem:$0x10080] =	vst v63  }
0x20: {  	v0 =	vld [tilespmem:$0x0];
	_ =	sdelay $0x2  }
0x21: {  	s15 =	sadd.s32 $0x1, s15  }
0x22: {  	p0 =	sne.s32 s15, s8  }
.Ltmp1:
0x23: {  	[tilespmem:$0x10000] =	vst v0;
	(pc) =	sbr.rel @p0 .LBB2_1-.Ltmp1, $4  }
0x24: {  	[hbm4b:s7+s2] =	stream.linear.scatter [tilespmem:s13], [sflag:$0x5], $0x80, $0x38;
	[tilespmem:$0x10080] =	vst v63  }
0x25: {  	_ =	swait.ge [sflag:s14], $0x80  }
0x26: {  	[sflag:s14] =	ssyncset.done $0x0  }
0x27: {  	[sflag:s14] =	ssyncadd.s32 $0xFFFFFF80  }
0x28: {  	_ =	sfence.sel $0x180000  }
0x29: {  	[bflag:$0x0] =	sbarrier.arrive $0xFFFF  }
0x2a: {  	p0 =	sne.s32 s1, $0x0;
	_ =	strace $0x90000047  }
0x2b: {  	s0 =	sadd.s32 @!p0 $0x100000, s0;
	[bflag:$0x2] =	sbarrier.arrive $0xFFFF  }
0x2c: {  	[sflag:s0] =	ssyncadd.tile.s32 @!p0 $0x1;
	_ =	shalt  }
.Lfunc_end2:
_tile_overlayer_lowered:
.L_overlay_start_2:
0x2d: {  	(tag) =	ssettag $0x2  }
0x2e: {  	s0 =	rddreg [dreg:$0x0];
	s2 =	stileid.u32  }
0x2f: {  	s1 =	rddreg [dreg:$0x1];
	p0 =	sne.s32 s2, $0x0  }
0x30: {  	s3 =	rddreg [dreg:$0x2];
	[bflag:$0x3] =	sbarrier.arrive $0xFFFF;
	s2 =	simm.s32 @!p0 $0x1C05  }
0x31: {  	[timem:s3], [sflag:s2] =	dma.local @!p0 [hbm:s0], s1  }
0x32: {  	s0 =	simm.s32 @!p0 $0x5  }
0x33: {  	_ =	swait.ge @!p0 [sflag:s0], s1  }
0x34: {  	s1 =	ssub.s32 @!p0 $0x0, s1;
	[sflag:s0] =	ssyncset.done @!p0 $0x0  }
0x35: {  	[sflag:s0] =	ssyncadd.s32 @!p0 s1  }
0x36: {  	[bflag:$0x3] =	sbarrier.arrive $0xFFFF  }
0x37: {  	_ =	shalt  }

</sc_bundles>
